<compile_context>
chip_gen: v7x
topology: tpu7x:2x2x1
jax: 0.10.2.dev20260603
libtpu: 0.0.44.dev20260713+nightly
codegen_flags: <defaults>
</compile_context>

<pallas_src>
import functools

import jax
import jax.numpy as jnp
from jax import lax
from jax.experimental import pallas as pl
from jax.experimental.pallas import tpu as pltpu
from jax.experimental.pallas import tpu_sc as plsc

NC = 2
NS = 16
NW = NC * NS
LANES = 16


def _sc_scatter(n_edges, n_pad, block):
    n_blocks_g = n_edges // block
    n_iters = (n_blocks_g + NW - 1) // NW
    wpt = n_pad * 4 // NS
    mesh = plsc.VectorSubcoreMesh(core_axis_name="c", subcore_axis_name="s")

    @functools.partial(
        pl.kernel,
        out_type=(
            jax.ShapeDtypeStruct((NC, n_pad * 4), jnp.float32),
            jax.ShapeDtypeStruct((NC, n_pad * 4), jnp.float32),
        ),
        mesh=mesh,
        compiler_params=pltpu.CompilerParams(
            needs_layout_passes=False, use_tc_tiling_on_sc=False),
        scratch_types=[
            pltpu.VMEM((3 * block,), jnp.float32),
            pltpu.VMEM((block,), jnp.float32),
            pltpu.VMEM((block,), jnp.int32),
            pltpu.VMEM((block,), jnp.int32),
            pltpu.VMEM((4 * block,), jnp.float32),
            pltpu.VMEM((4 * block,), jnp.int32),
            pltpu.VMEM((4 * block,), jnp.int32),
            pltpu.VMEM_SHARED((n_pad * 4,), jnp.float32),
            pltpu.VMEM_SHARED((n_pad * 4,), jnp.float32),
        ],
    )
    def k(ev_hbm, w_hbm, ei_hbm, zero_hbm, outp_hbm, outn_hbm,
          ev_v, w_v, si_v, di_v, f4_v, siw_v, diw_v, acc_p, acc_n):
        lane = lax.broadcasted_iota(jnp.int32, (LANES,), 0)
        rg = lane >> 2
        col = lane & 3
        ev_idx0 = rg * 3 + jnp.minimum(col, 2)
        colmask = col < 3

        cid = lax.axis_index("c")
        sid = lax.axis_index("s")
        wid = cid * NS + sid
        w0 = sid * wpt

        pltpu.sync_copy(zero_hbm, acc_p.at[pl.ds(w0, wpt)])
        pltpu.sync_copy(zero_hbm, acc_n.at[pl.ds(w0, wpt)])
        plsc.subcore_barrier()

        def body(g):
            base = g * block
            pltpu.sync_copy(ev_hbm.at[pl.ds(3 * base, 3 * block)], ev_v)
            pltpu.sync_copy(w_hbm.at[pl.ds(base, block)], w_v)
            pltpu.sync_copy(ei_hbm.at[0, pl.ds(base, block)], si_v)
            pltpu.sync_copy(ei_hbm.at[1, pl.ds(base, block)], di_v)

            def grp(j, _):
                eb = j * 4
                q = j * LANES
                evg = plsc.load_gather(ev_v, [ev_idx0 + 3 * eb])
                wg = plsc.load_gather(w_v, [rg + eb])
                sg = plsc.load_gather(si_v, [rg + eb])
                dg = plsc.load_gather(di_v, [rg + eb])
                val = jnp.where(colmask, evg * (wg + wg), 0.0)
                f4_v[pl.ds(q, LANES)] = val
                siw_v[pl.ds(q, LANES)] = sg * 4 + col
                diw_v[pl.ds(q, LANES)] = dg * 4 + col
                return 0

            lax.fori_loop(0, block // 4, grp, 0)
            pltpu.sync_copy(f4_v, acc_p.at[siw_v], add=True)
            pltpu.sync_copy(f4_v, acc_n.at[diw_v], add=True)

        def blk(b, _):
            g = b * NW + wid
            @pl.when(g < n_blocks_g)
            def _():
                body(g)
            return 0

        lax.fori_loop(0, n_iters, blk, 0)
        plsc.subcore_barrier()

        pltpu.sync_copy(acc_p.at[pl.ds(w0, wpt)],
                        outp_hbm.at[cid, pl.ds(w0, wpt)])
        pltpu.sync_copy(acc_n.at[pl.ds(w0, wpt)],
                        outn_hbm.at[cid, pl.ds(w0, wpt)])

    return k


def _combine_body(p_ref, n_ref, o_ref):
    o_ref[...] = (p_ref[0] + p_ref[1]) - (n_ref[0] + n_ref[1])


def kernel(edge_vec, edge_index, pos, edge_w):
    n_edges = edge_vec.shape[0]
    n_nodes = pos.shape[0]
    block = 2048
    n_pad = ((n_nodes + 127) // 128) * 128
    assert n_edges % block == 0

    ev_flat = edge_vec.reshape(-1)
    zero = jnp.zeros((n_pad * 4 // NS,), jnp.float32)

    part_p, part_n = _sc_scatter(n_edges, n_pad, block)(
        ev_flat, edge_w, edge_index, zero)

    rows = n_pad * 4 // 128
    blk_rows = 184
    p2 = part_p.reshape(NC, rows, 128)
    n2 = part_n.reshape(NC, rows, 128)
    out = pl.pallas_call(
        _combine_body,
        grid=(rows // blk_rows,),
        in_specs=[
            pl.BlockSpec((NC, blk_rows, 128), lambda i: (0, i, 0)),
            pl.BlockSpec((NC, blk_rows, 128), lambda i: (0, i, 0)),
        ],
        out_specs=pl.BlockSpec((blk_rows, 128), lambda i: (i, 0)),
        out_shape=jax.ShapeDtypeStruct((rows, 128), jnp.float32),
    )(p2, n2)
    return out.reshape(n_pad, 4)[:n_nodes, :3]

# --- scband reference (transcript-rebuilt; emitter-appended) ---
"""Pipeline reference for scband-edgewise-grad-84086869721639 (READ-ONLY COPY).

The authoritative reference and input builder live on the scoring server;
editing this copy changes nothing except your own understanding.
"""

import jax, jax.numpy as jnp
import numpy as np

N_NODES = 100000
N_EDGES = 6400000


def setup_inputs(seed: int = 0) -> dict:
    key = jax.random.key(seed)
    k1, k2, k3, k4 = jax.random.split(key, 4)
    edge_vec = jax.random.normal(k1, (N_EDGES, 3), dtype=jnp.float32)
    edge_index = jax.random.randint(k2, (2, N_EDGES), 0, N_NODES, dtype=jnp.int32)
    pos = jax.random.normal(k3, (N_NODES, 3), dtype=jnp.float32)
    # per-edge energy coefficient: stands in for the upstream network that
    # produces `energy` as a differentiable function of edge_vec
    edge_w = jax.random.uniform(k4, (N_EDGES,), dtype=jnp.float32)
    return {"edge_vec": edge_vec, "edge_index": edge_index, "pos": pos, "edge_w": edge_w}


def reference(edge_vec, edge_index, pos, edge_w):
    # Faithful translation of EdgewiseGrad.forward with calc_stress=False.
    # In the torch module, `energy` arrives with an autograd graph connecting it
    # to data['edge_vec']; here we materialize that dependency explicitly as a
    # per-edge pair energy e_ij = w_ij * |edge_vec_ij|^2 and differentiate it.
    def energy_fn(ev):
        # energy.sum() in the original code
        return jnp.sum(edge_w * jnp.sum(ev * ev, axis=-1))

    # grad = torch.autograd.grad([energy.sum()], [data['edge_vec']])
    fij = jax.grad(energy_fn)(edge_vec)

    n = pos.shape[0]
    # pf = scatter(fij, edge_index[0], dim=0, dim_size=len(pos))
    pf = jax.ops.segment_sum(fij, edge_index[0], num_segments=n)
    # nf = scatter(fij, edge_index[1], dim=0, dim_size=len(pos))
    nf = jax.ops.segment_sum(fij, edge_index[1], num_segments=n)
    forces = pf - nf
    # calc_stress=False -> stress is None; return only forces
    return forces

if __name__ == "__main__":
    import jax
    _d = setup_inputs()
    print(jax.jit(kernel)(*tuple(_d.values())))

</pallas_src>

<mosaic_0001>
#map = affine_map<(d0, d1) -> (0)>
#map1 = affine_map<(d0, d1) -> (0, 0)>
module attributes {stable_mosaic.version = 14 : i64} {
  func.func @k(%arg0: i32, %arg1: i32, %arg2: memref<19200000xf32, #tpu.memory_space<hbm>>, %arg3: memref<6400000xf32, #tpu.memory_space<hbm>>, %arg4: memref<2x6400000xi32, #tpu.memory_space<hbm>>, %arg5: memref<25024xf32, #tpu.memory_space<hbm>>, %arg6: memref<2x400384xf32, #tpu.memory_space<hbm>>, %arg7: memref<2x400384xf32, #tpu.memory_space<hbm>>, %arg8: memref<6144xf32, #tpu.memory_space<vmem>>, %arg9: memref<2048xf32, #tpu.memory_space<vmem>>, %arg10: memref<2048xi32, #tpu.memory_space<vmem>>, %arg11: memref<2048xi32, #tpu.memory_space<vmem>>, %arg12: memref<8192xf32, #tpu.memory_space<vmem>>, %arg13: memref<8192xi32, #tpu.memory_space<vmem>>, %arg14: memref<8192xi32, #tpu.memory_space<vmem>>, %arg15: memref<400384xf32, #tpu.memory_space<vmem_shared>>, %arg16: memref<400384xf32, #tpu.memory_space<vmem_shared>>) attributes {dimension_semantics = [#tpu.dimension_semantics<core_parallel>, #tpu.dimension_semantics<subcore_parallel>], iteration_bounds = array<i64: 2, 16>, scalar_prefetch = 0 : i64, scratch_operands = 9 : i64, tpu.core_type = #tpu.core_type<sc_vector_subcore>, window_params = [{transform_indices = #map}, {transform_indices = #map}, {transform_indices = #map1}, {transform_indices = #map}, {transform_indices = #map1}, {transform_indices = #map1}]} {
    %iota3A = tpu.iota {dimensions = array<i32: 0>} : vector<16xi32>
    %shift_right_arithmetic3A = arith.constant 2 : i32
    %shift_right_arithmetic3A_0 = vector.broadcast %shift_right_arithmetic3A : i32 to vector<16xi32>
    %shift_right_arithmetic3A_1 = arith.shrsi %iota3A, %shift_right_arithmetic3A_0 : vector<16xi32>
    %and3A = arith.constant 3 : i32
    %and3A_2 = vector.broadcast %and3A : i32 to vector<16xi32>
    %and3A_3 = arith.andi %iota3A, %and3A_2 : vector<16xi32>
    %mul3A = arith.constant 3 : i32
    %mul3A_4 = vector.broadcast %mul3A : i32 to vector<16xi32>
    %mul3A_5 = arith.muli %shift_right_arithmetic3A_1, %mul3A_4 : vector<16xi32>
    %min3A = arith.constant 2 : i32
    %min3A_6 = vector.broadcast %min3A : i32 to vector<16xi32>
    %min3A_7 = arith.minsi %and3A_3, %min3A_6 : vector<16xi32>
    %add3A = arith.addi %mul3A_5, %min3A_7 : vector<16xi32>
    %lt3A = arith.constant 3 : i32
    %lt3A_8 = vector.broadcast %lt3A : i32 to vector<16xi32>
    %lt3A_9 = arith.cmpi slt, %and3A_3, %lt3A_8 : vector<16xi32>
    %mul3A_10 = arith.constant 16 : i32
    %mul3A_11 = arith.muli %arg0, %mul3A_10 : i32
    %add3A_12 = arith.addi %mul3A_11, %arg1 : i32
    %mul3A_13 = arith.constant 25024 : i32
    %mul3A_14 = arith.muli %arg1, %mul3A_13 : i32
    "tpu.region"() ({
      %run_scoped3A = tpu.sem_alloc : memref<!tpu.dma_semaphore, #tpu.memory_space<semaphore_mem>>
      %dma_start3A = tpu.memref_slice %arg15[%mul3A_14] : memref<400384xf32, #tpu.memory_space<vmem_shared>> -> memref<25024xf32, #tpu.memory_space<vmem_shared>>
      tpu.enqueue_dma source(%arg5 : memref<25024xf32, #tpu.memory_space<hbm>>) target(%dma_start3A : memref<25024xf32, #tpu.memory_space<vmem_shared>>) target_semaphore(%run_scoped3A : memref<!tpu.dma_semaphore, #tpu.memory_space<semaphore_mem>>)
      %dma_wait3A = tpu.memref_slice %arg15[%mul3A_14] : memref<400384xf32, #tpu.memory_space<vmem_shared>> -> memref<25024xf32, #tpu.memory_space<vmem_shared>>
      tpu.wait_dma2 semaphore(%run_scoped3A : memref<!tpu.dma_semaphore, #tpu.memory_space<semaphore_mem>>) src(%arg5 : memref<25024xf32, #tpu.memory_space<hbm>>) dst(%dma_wait3A : memref<25024xf32, #tpu.memory_space<vmem_shared>>)
      tpu.yield
    }) : () -> ()
    "tpu.region"() ({
      %run_scoped3A = tpu.sem_alloc : memref<!tpu.dma_semaphore, #tpu.memory_space<semaphore_mem>>
      %dma_start3A = tpu.memref_slice %arg16[%mul3A_14] : memref<400384xf32, #tpu.memory_space<vmem_shared>> -> memref<25024xf32, #tpu.memory_space<vmem_shared>>
      tpu.enqueue_dma source(%arg5 : memref<25024xf32, #tpu.memory_space<hbm>>) target(%dma_start3A : memref<25024xf32, #tpu.memory_space<vmem_shared>>) target_semaphore(%run_scoped3A : memref<!tpu.dma_semaphore, #tpu.memory_space<semaphore_mem>>)
      %dma_wait3A = tpu.memref_slice %arg16[%mul3A_14] : memref<400384xf32, #tpu.memory_space<vmem_shared>> -> memref<25024xf32, #tpu.memory_space<vmem_shared>>
      tpu.wait_dma2 semaphore(%run_scoped3A : memref<!tpu.dma_semaphore, #tpu.memory_space<semaphore_mem>>) src(%arg5 : memref<25024xf32, #tpu.memory_space<hbm>>) dst(%dma_wait3A : memref<25024xf32, #tpu.memory_space<vmem_shared>>)
      tpu.yield
    }) : () -> ()
    %barrier3A = arith.constant 0 : index
    tpu.barrier barrier_id(%barrier3A)
    %scan3A = arith.constant 0 : i32
    %scan3A_15 = arith.constant 0 : i32
    %scan3A_16 = arith.constant 98 : i32
    %scan3A_17 = arith.addi %scan3A_15, %scan3A_16 : i32
    %scan3A_18 = arith.constant 1 : i32
    %scan3A_19 = scf.for %scan3A_22 = %scan3A_15 to %scan3A_17 step %scan3A_18 iter_args(%scan3A_23 = %scan3A) -> (i32)  : i32 {
      %mul3A_24 = arith.constant 32 : i32
      %mul3A_25 = arith.muli %scan3A_22, %mul3A_24 : i32
      %add3A_26 = arith.addi %mul3A_25, %add3A_12 : i32
      %lt3A_27 = arith.constant 3125 : i32
      %lt3A_28 = arith.cmpi slt, %add3A_26, %lt3A_27 : i32
      %convert_element_type3A = arith.extui %lt3A_28 : i1 to i32
      %cond3A = arith.constant 0 : i32
      %cond3A_29 = arith.cmpi ne, %convert_element_type3A, %cond3A : i32
      scf.if %cond3A_29 {
        %mul3A_31 = arith.constant 2048 : i32
        %mul3A_32 = arith.muli %add3A_26, %mul3A_31 : i32
        %mul3A_33 = arith.constant 3 : i32
        %mul3A_34 = arith.muli %mul3A_33, %mul3A_32 : i32
        "tpu.region"() ({
          %run_scoped3A_43 = tpu.sem_alloc : memref<!tpu.dma_semaphore, #tpu.memory_space<semaphore_mem>>
          %dma_start3A = tpu.memref_slice %arg2[%mul3A_34] : memref<19200000xf32, #tpu.memory_space<hbm>> -> memref<6144xf32, #tpu.memory_space<hbm>>
          %dma_start3A_44 = tpu.memref_slice %arg2[%mul3A_34] : memref<19200000xf32, #tpu.memory_space<hbm>> -> memref<6144xf32, #tpu.memory_space<hbm>>
          tpu.enqueue_dma source(%dma_start3A_44 : memref<6144xf32, #tpu.memory_space<hbm>>) target(%arg8 : memref<6144xf32, #tpu.memory_space<vmem>>) target_semaphore(%run_scoped3A_43 : memref<!tpu.dma_semaphore, #tpu.memory_space<semaphore_mem>>)
          %dma_wait3A = tpu.memref_slice %arg2[%mul3A_34] : memref<19200000xf32, #tpu.memory_space<hbm>> -> memref<6144xf32, #tpu.memory_space<hbm>>
          %dma_wait3A_45 = tpu.memref_slice %arg2[%mul3A_34] : memref<19200000xf32, #tpu.memory_space<hbm>> -> memref<6144xf32, #tpu.memory_space<hbm>>
          tpu.wait_dma2 semaphore(%run_scoped3A_43 : memref<!tpu.dma_semaphore, #tpu.memory_space<semaphore_mem>>) src(%dma_wait3A_45 : memref<6144xf32, #tpu.memory_space<hbm>>) dst(%arg8 : memref<6144xf32, #tpu.memory_space<vmem>>)
          tpu.yield
        }) : () -> ()
        "tpu.region"() ({
          %run_scoped3A_43 = tpu.sem_alloc : memref<!tpu.dma_semaphore, #tpu.memory_space<semaphore_mem>>
          %dma_start3A = tpu.memref_slice %arg3[%mul3A_32] : memref<6400000xf32, #tpu.memory_space<hbm>> -> memref<2048xf32, #tpu.memory_space<hbm>>
          %dma_start3A_44 = tpu.memref_slice %arg3[%mul3A_32] : memref<6400000xf32, #tpu.memory_space<hbm>> -> memref<2048xf32, #tpu.memory_space<hbm>>
          tpu.enqueue_dma source(%dma_start3A_44 : memref<2048xf32, #tpu.memory_space<hbm>>) target(%arg9 : memref<2048xf32, #tpu.memory_space<vmem>>) target_semaphore(%run_scoped3A_43 : memref<!tpu.dma_semaphore, #tpu.memory_space<semaphore_mem>>)
          %dma_wait3A = tpu.memref_slice %arg3[%mul3A_32] : memref<6400000xf32, #tpu.memory_space<hbm>> -> memref<2048xf32, #tpu.memory_space<hbm>>
          %dma_wait3A_45 = tpu.memref_slice %arg3[%mul3A_32] : memref<6400000xf32, #tpu.memory_space<hbm>> -> memref<2048xf32, #tpu.memory_space<hbm>>
          tpu.wait_dma2 semaphore(%run_scoped3A_43 : memref<!tpu.dma_semaphore, #tpu.memory_space<semaphore_mem>>) src(%dma_wait3A_45 : memref<2048xf32, #tpu.memory_space<hbm>>) dst(%arg9 : memref<2048xf32, #tpu.memory_space<vmem>>)
          tpu.yield
        }) : () -> ()
        %run_scoped3A = arith.constant 0 : i32
        "tpu.region"() ({
          %run_scoped3A_43 = tpu.sem_alloc : memref<!tpu.dma_semaphore, #tpu.memory_space<semaphore_mem>>
          %dma_start3A = tpu.memref_slice %arg4[%run_scoped3A, %mul3A_32] : memref<2x6400000xi32, #tpu.memory_space<hbm>> -> memref<1x2048xi32, #tpu.memory_space<hbm>>
          %dma_start3A_44 = tpu.memref_squeeze %dma_start3A : memref<1x2048xi32, #tpu.memory_space<hbm>> -> memref<2048xi32, #tpu.memory_space<hbm>>
          %dma_start3A_45 = tpu.memref_slice %arg4[%run_scoped3A, %mul3A_32] : memref<2x6400000xi32, #tpu.memory_space<hbm>> -> memref<1x2048xi32, #tpu.memory_space<hbm>>
          %dma_start3A_46 = tpu.memref_squeeze %dma_start3A_45 : memref<1x2048xi32, #tpu.memory_space<hbm>> -> memref<2048xi32, #tpu.memory_space<hbm>>
          tpu.enqueue_dma source(%dma_start3A_46 : memref<2048xi32, #tpu.memory_space<hbm>>) target(%arg10 : memref<2048xi32, #tpu.memory_space<vmem>>) target_semaphore(%run_scoped3A_43 : memref<!tpu.dma_semaphore, #tpu.memory_space<semaphore_mem>>)
          %dma_wait3A = tpu.memref_slice %arg4[%run_scoped3A, %mul3A_32] : memref<2x6400000xi32, #tpu.memory_space<hbm>> -> memref<1x2048xi32, #tpu.memory_space<hbm>>
          %dma_wait3A_47 = tpu.memref_squeeze %dma_wait3A : memref<1x2048xi32, #tpu.memory_space<hbm>> -> memref<2048xi32, #tpu.memory_space<hbm>>
          %dma_wait3A_48 = tpu.memref_slice %arg4[%run_scoped3A, %mul3A_32] : memref<2x6400000xi32, #tpu.memory_space<hbm>> -> memref<1x2048xi32, #tpu.memory_space<hbm>>
          %dma_wait3A_49 = tpu.memref_squeeze %dma_wait3A_48 : memref<1x2048xi32, #tpu.memory_space<hbm>> -> memref<2048xi32, #tpu.memory_space<hbm>>
          tpu.wait_dma2 semaphore(%run_scoped3A_43 : memref<!tpu.dma_semaphore, #tpu.memory_space<semaphore_mem>>) src(%dma_wait3A_49 : memref<2048xi32, #tpu.memory_space<hbm>>) dst(%arg10 : memref<2048xi32, #tpu.memory_space<vmem>>)
          tpu.yield
        }) : () -> ()
        %run_scoped3A_35 = arith.constant 1 : i32
        "tpu.region"() ({
          %run_scoped3A_43 = tpu.sem_alloc : memref<!tpu.dma_semaphore, #tpu.memory_space<semaphore_mem>>
          %dma_start3A = tpu.memref_slice %arg4[%run_scoped3A_35, %mul3A_32] : memref<2x6400000xi32, #tpu.memory_space<hbm>> -> memref<1x2048xi32, #tpu.memory_space<hbm>>
          %dma_start3A_44 = tpu.memref_squeeze %dma_start3A : memref<1x2048xi32, #tpu.memory_space<hbm>> -> memref<2048xi32, #tpu.memory_space<hbm>>
          %dma_start3A_45 = tpu.memref_slice %arg4[%run_scoped3A_35, %mul3A_32] : memref<2x6400000xi32, #tpu.memory_space<hbm>> -> memref<1x2048xi32, #tpu.memory_space<hbm>>
          %dma_start3A_46 = tpu.memref_squeeze %dma_start3A_45 : memref<1x2048xi32, #tpu.memory_space<hbm>> -> memref<2048xi32, #tpu.memory_space<hbm>>
          tpu.enqueue_dma source(%dma_start3A_46 : memref<2048xi32, #tpu.memory_space<hbm>>) target(%arg11 : memref<2048xi32, #tpu.memory_space<vmem>>) target_semaphore(%run_scoped3A_43 : memref<!tpu.dma_semaphore, #tpu.memory_space<semaphore_mem>>)
          %dma_wait3A = tpu.memref_slice %arg4[%run_scoped3A_35, %mul3A_32] : memref<2x6400000xi32, #tpu.memory_space<hbm>> -> memref<1x2048xi32, #tpu.memory_space<hbm>>
          %dma_wait3A_47 = tpu.memref_squeeze %dma_wait3A : memref<1x2048xi32, #tpu.memory_space<hbm>> -> memref<2048xi32, #tpu.memory_space<hbm>>
          %dma_wait3A_48 = tpu.memref_slice %arg4[%run_scoped3A_35, %mul3A_32] : memref<2x6400000xi32, #tpu.memory_space<hbm>> -> memref<1x2048xi32, #tpu.memory_space<hbm>>
          %dma_wait3A_49 = tpu.memref_squeeze %dma_wait3A_48 : memref<1x2048xi32, #tpu.memory_space<hbm>> -> memref<2048xi32, #tpu.memory_space<hbm>>
          tpu.wait_dma2 semaphore(%run_scoped3A_43 : memref<!tpu.dma_semaphore, #tpu.memory_space<semaphore_mem>>) src(%dma_wait3A_49 : memref<2048xi32, #tpu.memory_space<hbm>>) dst(%arg11 : memref<2048xi32, #tpu.memory_space<vmem>>)
          tpu.yield
        }) : () -> ()
        %scan3A_36 = arith.constant 0 : i32
        %scan3A_37 = arith.constant 0 : i32
        %scan3A_38 = arith.constant 512 : i32
        %scan3A_39 = arith.addi %scan3A_37, %scan3A_38 : i32
        %scan3A_40 = arith.constant 1 : i32
        %scan3A_41 = scf.for %scan3A_43 = %scan3A_37 to %scan3A_39 step %scan3A_40 iter_args(%scan3A_44 = %scan3A_36) -> (i32)  : i32 {
          %mul3A_45 = arith.constant 4 : i32
          %mul3A_46 = arith.muli %scan3A_43, %mul3A_45 : i32
          %mul3A_47 = arith.constant 16 : i32
          %mul3A_48 = arith.muli %scan3A_43, %mul3A_47 : i32
          %mul3A_49 = arith.constant 3 : i32
          %mul3A_50 = arith.muli %mul3A_49, %mul3A_46 : i32
          %add3A_51 = vector.broadcast %mul3A_50 : i32 to vector<16xi32>
          %add3A_52 = arith.addi %add3A, %add3A_51 : vector<16xi32>
          %gather3A = tpu.vector_load_idx %arg8[%add3A_52] : memref<6144xf32, #tpu.memory_space<vmem>>[vector<16xi32>], vector<16xf32>,
          %add3A_53 = vector.broadcast %mul3A_46 : i32 to vector<16xi32>
          %add3A_54 = arith.addi %shift_right_arithmetic3A_1, %add3A_53 : vector<16xi32>
          %gather3A_55 = tpu.vector_load_idx %arg9[%add3A_54] : memref<2048xf32, #tpu.memory_space<vmem>>[vector<16xi32>], vector<16xf32>,
          %add3A_56 = vector.broadcast %mul3A_46 : i32 to vector<16xi32>
          %add3A_57 = arith.addi %shift_right_arithmetic3A_1, %add3A_56 : vector<16xi32>
          %gather3A_58 = tpu.vector_load_idx %arg10[%add3A_57] : memref<2048xi32, #tpu.memory_space<vmem>>[vector<16xi32>], vector<16xi32>,
          %add3A_59 = vector.broadcast %mul3A_46 : i32 to vector<16xi32>
          %add3A_60 = arith.addi %shift_right_arithmetic3A_1, %add3A_59 : vector<16xi32>
          %gather3A_61 = tpu.vector_load_idx %arg11[%add3A_60] : memref<2048xi32, #tpu.memory_space<vmem>>[vector<16xi32>], vector<16xi32>,
          %add3A_62 = arith.addf %gather3A_55, %gather3A_55 : vector<16xf32>
          %mul3A_63 = arith.mulf %gather3A, %add3A_62 : vector<16xf32>
          %jit3A = arith.constant 0.000000e+00 : f32
          %broadcast_in_dim3A = vector.broadcast %jit3A : f32 to vector<16xf32>
          %select_n3A = arith.select %lt3A_9, %mul3A_63, %broadcast_in_dim3A : vector<16xi1>, vector<16xf32>
          %swap3A = arith.index_cast %mul3A_48 : i32 to index
          %swap3A_64 = tpu.vector_load %arg12[%swap3A] {strides = array<i32>} : memref<8192xf32, #tpu.memory_space<vmem>>, vector<16xf32>,
          tpu.vector_store %arg12[%swap3A], %select_n3A {strides = array<i32>} : memref<8192xf32, #tpu.memory_space<vmem>>, vector<16xf32>,
          %mul3A_65 = arith.constant 4 : i32
          %mul3A_66 = vector.broadcast %mul3A_65 : i32 to vector<16xi32>
          %mul3A_67 = arith.muli %gather3A_58, %mul3A_66 : vector<16xi32>
          %add3A_68 = arith.addi %mul3A_67, %and3A_3 : vector<16xi32>
          %swap3A_69 = arith.index_cast %mul3A_48 : i32 to index
          %swap3A_70 = tpu.vector_load %arg13[%swap3A_69] {strides = array<i32>} : memref<8192xi32, #tpu.memory_space<vmem>>, vector<16xi32>,
          tpu.vector_store %arg13[%swap3A_69], %add3A_68 {strides = array<i32>} : memref<8192xi32, #tpu.memory_space<vmem>>, vector<16xi32>,
          %mul3A_71 = arith.constant 4 : i32
          %mul3A_72 = vector.broadcast %mul3A_71 : i32 to vector<16xi32>
          %mul3A_73 = arith.muli %gather3A_61, %mul3A_72 : vector<16xi32>
          %add3A_74 = arith.addi %mul3A_73, %and3A_3 : vector<16xi32>
          %swap3A_75 = arith.index_cast %mul3A_48 : i32 to index
          %swap3A_76 = tpu.vector_load %arg14[%swap3A_75] {strides = array<i32>} : memref<8192xi32, #tpu.memory_space<vmem>>, vector<16xi32>,
          tpu.vector_store %arg14[%swap3A_75], %add3A_74 {strides = array<i32>} : memref<8192xi32, #tpu.memory_space<vmem>>, vector<16xi32>,
          %scan3A_77 = arith.constant 0 : i32
          scf.yield %scan3A_77 : i32
        }
        %scan3A_42 = arith.constant 512 : i32
        "tpu.region"() ({
          %run_scoped3A_43 = tpu.sem_alloc : memref<!tpu.dma_semaphore, #tpu.memory_space<semaphore_mem>>
          %dma_start3A = arith.constant 0 : i32
          %dma_start3A_44 = tpu.memref_slice %arg15[%dma_start3A] : memref<400384xf32, #tpu.memory_space<vmem_shared>> -> memref<400384xf32, #tpu.memory_space<vmem_shared>>
          tpu.enqueue_indirect_dma source(%arg12 : memref<8192xf32, #tpu.memory_space<vmem>>) target(%dma_start3A_44 : memref<400384xf32, #tpu.memory_space<vmem_shared>>) offsets(%arg13 : memref<8192xi32, #tpu.memory_space<vmem>>) semaphore(%run_scoped3A_43 : memref<!tpu.dma_semaphore, #tpu.memory_space<semaphore_mem>>) {add = true}
          %dma_wait3A = arith.constant 0 : i32
          %dma_wait3A_45 = tpu.memref_slice %arg15[%dma_wait3A] : memref<400384xf32, #tpu.memory_space<vmem_shared>> -> memref<400384xf32, #tpu.memory_space<vmem_shared>>
          tpu.wait_indirect_dma semaphore(%run_scoped3A_43 : memref<!tpu.dma_semaphore, #tpu.memory_space<semaphore_mem>>) src(%arg12 : memref<8192xf32, #tpu.memory_space<vmem>>) dst(%dma_wait3A_45 : memref<400384xf32, #tpu.memory_space<vmem_shared>>)
          tpu.yield
        }) : () -> ()
        "tpu.region"() ({
          %run_scoped3A_43 = tpu.sem_alloc : memref<!tpu.dma_semaphore, #tpu.memory_space<semaphore_mem>>
          %dma_start3A = arith.constant 0 : i32
          %dma_start3A_44 = tpu.memref_slice %arg16[%dma_start3A] : memref<400384xf32, #tpu.memory_space<vmem_shared>> -> memref<400384xf32, #tpu.memory_space<vmem_shared>>
          tpu.enqueue_indirect_dma source(%arg12 : memref<8192xf32, #tpu.memory_space<vmem>>) target(%dma_start3A_44 : memref<400384xf32, #tpu.memory_space<vmem_shared>>) offsets(%arg14 : memref<8192xi32, #tpu.memory_space<vmem>>) semaphore(%run_scoped3A_43 : memref<!tpu.dma_semaphore, #tpu.memory_space<semaphore_mem>>) {add = true}
          %dma_wait3A = arith.constant 0 : i32
          %dma_wait3A_45 = tpu.memref_slice %arg16[%dma_wait3A] : memref<400384xf32, #tpu.memory_space<vmem_shared>> -> memref<400384xf32, #tpu.memory_space<vmem_shared>>
          tpu.wait_indirect_dma semaphore(%run_scoped3A_43 : memref<!tpu.dma_semaphore, #tpu.memory_space<semaphore_mem>>) src(%arg12 : memref<8192xf32, #tpu.memory_space<vmem>>) dst(%dma_wait3A_45 : memref<400384xf32, #tpu.memory_space<vmem_shared>>)
          tpu.yield
        }) : () -> ()
      } else {
      }
      %scan3A_30 = arith.constant 0 : i32
      scf.yield %scan3A_30 : i32
    }
    %scan3A_20 = arith.constant 98 : i32
    %barrier3A_21 = arith.constant 0 : index
    tpu.barrier barrier_id(%barrier3A_21)
    "tpu.region"() ({
      %run_scoped3A = tpu.sem_alloc : memref<!tpu.dma_semaphore, #tpu.memory_space<semaphore_mem>>
      %dma_start3A = tpu.memref_slice %arg6[%arg0, %mul3A_14] : memref<2x400384xf32, #tpu.memory_space<hbm>> -> memref<1x25024xf32, #tpu.memory_space<hbm>>
      %dma_start3A_22 = tpu.memref_squeeze %dma_start3A : memref<1x25024xf32, #tpu.memory_space<hbm>> -> memref<25024xf32, #tpu.memory_space<hbm>>
      %dma_start3A_23 = tpu.memref_slice %arg15[%mul3A_14] : memref<400384xf32, #tpu.memory_space<vmem_shared>> -> memref<25024xf32, #tpu.memory_space<vmem_shared>>
      tpu.enqueue_dma source(%dma_start3A_23 : memref<25024xf32, #tpu.memory_space<vmem_shared>>) target(%dma_start3A_22 : memref<25024xf32, #tpu.memory_space<hbm>>) target_semaphore(%run_scoped3A : memref<!tpu.dma_semaphore, #tpu.memory_space<semaphore_mem>>)
      %dma_wait3A = tpu.memref_slice %arg6[%arg0, %mul3A_14] : memref<2x400384xf32, #tpu.memory_space<hbm>> -> memref<1x25024xf32, #tpu.memory_space<hbm>>
      %dma_wait3A_24 = tpu.memref_squeeze %dma_wait3A : memref<1x25024xf32, #tpu.memory_space<hbm>> -> memref<25024xf32, #tpu.memory_space<hbm>>
      %dma_wait3A_25 = tpu.memref_slice %arg15[%mul3A_14] : memref<400384xf32, #tpu.memory_space<vmem_shared>> -> memref<25024xf32, #tpu.memory_space<vmem_shared>>
      tpu.wait_dma2 semaphore(%run_scoped3A : memref<!tpu.dma_semaphore, #tpu.memory_space<semaphore_mem>>) src(%dma_wait3A_25 : memref<25024xf32, #tpu.memory_space<vmem_shared>>) dst(%dma_wait3A_24 : memref<25024xf32, #tpu.memory_space<hbm>>)
      tpu.yield
    }) : () -> ()
    "tpu.region"() ({
      %run_scoped3A = tpu.sem_alloc : memref<!tpu.dma_semaphore, #tpu.memory_space<semaphore_mem>>
      %dma_start3A = tpu.memref_slice %arg7[%arg0, %mul3A_14] : memref<2x400384xf32, #tpu.memory_space<hbm>> -> memref<1x25024xf32, #tpu.memory_space<hbm>>
      %dma_start3A_22 = tpu.memref_squeeze %dma_start3A : memref<1x25024xf32, #tpu.memory_space<hbm>> -> memref<25024xf32, #tpu.memory_space<hbm>>
      %dma_start3A_23 = tpu.memref_slice %arg16[%mul3A_14] : memref<400384xf32, #tpu.memory_space<vmem_shared>> -> memref<25024xf32, #tpu.memory_space<vmem_shared>>
      tpu.enqueue_dma source(%dma_start3A_23 : memref<25024xf32, #tpu.memory_space<vmem_shared>>) target(%dma_start3A_22 : memref<25024xf32, #tpu.memory_space<hbm>>) target_semaphore(%run_scoped3A : memref<!tpu.dma_semaphore, #tpu.memory_space<semaphore_mem>>)
      %dma_wait3A = tpu.memref_slice %arg7[%arg0, %mul3A_14] : memref<2x400384xf32, #tpu.memory_space<hbm>> -> memref<1x25024xf32, #tpu.memory_space<hbm>>
      %dma_wait3A_24 = tpu.memref_squeeze %dma_wait3A : memref<1x25024xf32, #tpu.memory_space<hbm>> -> memref<25024xf32, #tpu.memory_space<hbm>>
      %dma_wait3A_25 = tpu.memref_slice %arg16[%mul3A_14] : memref<400384xf32, #tpu.memory_space<vmem_shared>> -> memref<25024xf32, #tpu.memory_space<vmem_shared>>
      tpu.wait_dma2 semaphore(%run_scoped3A : memref<!tpu.dma_semaphore, #tpu.memory_space<semaphore_mem>>) src(%dma_wait3A_25 : memref<25024xf32, #tpu.memory_space<vmem_shared>>) dst(%dma_wait3A_24 : memref<25024xf32, #tpu.memory_space<hbm>>)
      tpu.yield
    }) : () -> ()
    return
  }
}

module attributes {stable_mosaic.version = 14 : i64} {
  func.func @_combine_body(%arg0: i32, %arg1: memref<2x184x128xf32, #tpu.memory_space<vmem>>, %arg2: memref<2x184x128xf32, #tpu.memory_space<vmem>>, %arg3: memref<184x128xf32, #tpu.memory_space<vmem>>) attributes {dimension_semantics = [#tpu.dimension_semantics<arbitrary>], iteration_bounds = array<i64: 17>, scalar_prefetch = 0 : i64, scratch_operands = 0 : i64, tpu.core_type = #tpu.core_type<tc>, window_params = [{transform_indices = @transform_0, window_bounds = array<i64: 2, 184, 128>}, {transform_indices = @transform_1, window_bounds = array<i64: 2, 184, 128>}, {transform_indices = @transform_2, window_bounds = array<i64: 184, 128>}]} {
    %get3A = arith.constant 0 : index
    %get3A_0 = arith.constant 0 : index
    %get3A_1 = arith.constant 0 : index
    %get3A_2 = vector.load %arg1[%get3A, %get3A_0, %get3A_1] : memref<2x184x128xf32, #tpu.memory_space<vmem>>, vector<1x184x128xf32>
    %get3A_3 = vector.shape_cast %get3A_2 : vector<1x184x128xf32> to vector<184x128xf32>
    %get3A_4 = arith.constant 1 : index
    %get3A_5 = arith.constant 0 : index
    %get3A_6 = arith.constant 0 : index
    %get3A_7 = vector.load %arg1[%get3A_4, %get3A_5, %get3A_6] : memref<2x184x128xf32, #tpu.memory_space<vmem>>, vector<1x184x128xf32>
    %get3A_8 = vector.shape_cast %get3A_7 : vector<1x184x128xf32> to vector<184x128xf32>
    %add3A = arith.addf %get3A_3, %get3A_8 : vector<184x128xf32>
    %get3A_9 = arith.constant 0 : index
    %get3A_10 = arith.constant 0 : index
    %get3A_11 = arith.constant 0 : index
    %get3A_12 = vector.load %arg2[%get3A_9, %get3A_10, %get3A_11] : memref<2x184x128xf32, #tpu.memory_space<vmem>>, vector<1x184x128xf32>
    %get3A_13 = vector.shape_cast %get3A_12 : vector<1x184x128xf32> to vector<184x128xf32>
    %get3A_14 = arith.constant 1 : index
    %get3A_15 = arith.constant 0 : index
    %get3A_16 = arith.constant 0 : index
    %get3A_17 = vector.load %arg2[%get3A_14, %get3A_15, %get3A_16] : memref<2x184x128xf32, #tpu.memory_space<vmem>>, vector<1x184x128xf32>
    %get3A_18 = vector.shape_cast %get3A_17 : vector<1x184x128xf32> to vector<184x128xf32>
    %add3A_19 = arith.addf %get3A_13, %get3A_18 : vector<184x128xf32>
    %sub3A = arith.subf %add3A, %add3A_19 : vector<184x128xf32>
    %swap3A = arith.constant 0 : index
    %swap3A_20 = arith.constant 0 : index
    %swap3A_21 = vector.load %arg3[%swap3A, %swap3A_20] : memref<184x128xf32, #tpu.memory_space<vmem>>, vector<184x128xf32>
    tpu.vector_store %arg3[%swap3A, %swap3A_20], %sub3A {strides = array<i32>} : memref<184x128xf32, #tpu.memory_space<vmem>>, vector<184x128xf32>,
    return
  }
  func.func @transform_0(%arg0: i32) -> (i32, i32, i32) {
    %c0_i32 = arith.constant 0 : i32
    %c0_i32_0 = arith.constant 0 : i32
    %c0_i32_1 = arith.constant 0 : i32
    return %c0_i32, %arg0, %c0_i32_0 : i32, i32, i32
  }
  func.func @transform_1(%arg0: i32) -> (i32, i32, i32) {
    %c0_i32 = arith.constant 0 : i32
    %c0_i32_0 = arith.constant 0 : i32
    %c0_i32_1 = arith.constant 0 : i32
    return %c0_i32, %arg0, %c0_i32_0 : i32, i32, i32
  }
  func.func @transform_2(%arg0: i32) -> (i32, i32) {
    %c0_i32 = arith.constant 0 : i32
    %c0_i32_0 = arith.constant 0 : i32
    return %arg0, %c0_i32 : i32, i32
  }
}

</mosaic_0001>

<sc_bundles>
// kernel: kernel.4.cloned.1.call-start
scs
__scs_entry_jumppad:
0x0: {  	(pc) =	sbr.rel $0x88, $3  }
0x1: {  	(tag) =	ssettag $0x0;
	lr =	simm.s32 $0x1  }
0x2: {  	[smem:$0x3F9E] =	sst lr;
	_ =	strace $0xD0000000  }
0x3: {  	_ = 	snop  }
0x4: {  	_ = 	snop  }
0x5: {  	_ = 	snop  }
0x6: {  	_ = 	snop  }
0x7: {  	_ = 	snop  }
__scs_overlays_trampoline_lowered:
0x8: {  	[smem:$0x3FAD] =	sst s0  }
0x9: {  	[smem:$0x3FAE] =	sst s1  }
0xa: {  	[smem:$0x3FAF] =	sst s2  }
0xb: {  	[smem:$0x3FB0] =	sst s3  }
0xc: {  	[smem:$0x3FB1] =	sst s4  }
0xd: {  	[smem:$0x3FB2] =	sst s5  }
0xe: {  	[smem:$0x3FB3] =	sst s6  }
0xf: {  	[smem:$0x3FB4] =	sst s7  }
0x10: {  	[smem:$0x3FB5] =	sst s8  }
0x11: {  	[smem:$0x3FB6] =	sst s9;
	s0 =	simm.s32 @!p0 $0x0  }
0x12: {  	s1 =	sld [smem:$0x3F9C];
	s0 =	simm.s32 @p0 $0x1  }
0x13: {  	[smem:$0x3FB7] =	sst s0;
	s0 =	simm.s32 @!p1 $0x0  }
0x14: {  	s2 =	sld [smem:$0x3F9B];
	s0 =	simm.s32 @p1 $0x1  }
0x15: {  	[smem:$0x3FB8] =	sst s0;
	s0 =	simm.s32 @!p2 $0x0  }
0x16: {  	s3 =	sld [smem:$0x3FDB];
	s0 =	simm.s32 @p2 $0x1  }
0x17: {  	s4 =	simm.s32 $0x1BF5;
	[smem:$0x3FBA] =	sst s0  }
0x18: {  	s0 =	sld [smem:$0x3F9D];
	_ =	swait.ge [sflag:s4], $0x0  }
0x19: {  	s7 =	sld [smem:$0x3F9E]  }
0x1a: {  	s8 =	sadd.s32 $0xFFFFE003, lr  }
0x1b: {  	s9 =	sadd.s32 $0xFFFFFEF7, lr;
	s5 =	simm.s32 $0xFFFFFFFF;
	p2 =	slt.u32 s8, $0xFFFFF086  }
0x1c: {  	p1 =	slt.u32 s9, $0xF7A;
	s5 =	simm.s32 @!p2 $0x0  }
0x1d: {  	s5 =	simm.s32 @p1 $0x1;
	p0 =	seq.s32 s7, s2  }
0x1e: {  	s7 =	smul.u32 @!p0 $0xF7A, s2;
	p2 =	seq.s32 @!p0 s5, $0x0  }
0x1f: {  	s9 =	smul.u32 $0xF7A, s1;
	s8 =	simm.s32 @!p0 $0x1BF5;
	p2 =	por !p2, p0  }
0x20: {  	[sflag:s8] =	ssyncset.s32 @!p0 $0xFFFFF086;
	s6 =	sadd.s32 @!p0 s3, s7;
	s7 =	simm.s32 @!p0 $0x108  }
0x21: {  	s3 =	sadd.s32 s3, s9;
	s6 =	sadd.s32 @!p0 $0x88, s6;
	s7 =	simm.s32 @p2 $0x1082  }
0x22: {  	[simem:s7], [sflag:s8] =	dma.local @!p0 [hbm:s6], $0xF7A  }
0x23: {  	s9 =	sor.u32 $0xD0000000, s2;
	s6 =	simm.s32 $0x108;
	_ =	swait.ge @!p0 [sflag:s8], $0x0  }
0x24: {  	s3 =	sadd.s32 $0x88, s3;
	s6 =	simm.s32 @!p1 $0x1082;
	[sflag:s4] =	ssyncset.s32 $0xFFFFF086  }
0x25: {  	[simem:s6], [sflag:s4] =	dma.local [hbm:s3], $0xF7A  }
0x26: {  	[smem:$0x3F9E] =	sst s1;
	(tag) =	ssettag s2;
	_ =	strace s9  }
0x27: {  	s1 =	sld [smem:$0x3FAE]  }
0x28: {  	s2 =	sld [smem:$0x3FAF]  }
0x29: {  	s4 =	sld [smem:$0x3FB1]  }
0x2a: {  	p0 =	seq.s32 s5, $0x0;
	s5 =	sld [smem:$0x3FB2]  }
0x2b: {  	s6 =	sld [smem:$0x3FB3]  }
0x2c: {  	s7 =	sld [smem:$0x3FB4]  }
0x2d: {  	s3 =	simm.s32 $0x108;
	s8 =	sld [smem:$0x3FB5]  }
0x2e: {  	s3 =	simm.s32 @!p0 $0x1082;
	s9 =	sld [smem:$0x3FB6]  }
0x2f: {  	lr =	sadd.s32 s0, s3;
	s0 =	sld [smem:$0x3FAD]  }
0x30: {  	s3 =	sld [smem:$0x3FB0]  }
0x31: {  	[smem:$0x3FB9] =	sst s10  }
0x32: {  	s10 =	sld [smem:$0x3FB7];
	_ =	sdelay $0x3  }
0x33: {  	p0 =	seq.s32 s10, $0x1;
	s10 =	sld [smem:$0x3FB9];
	_ =	sdelay $0x3  }
0x34: {  	[smem:$0x3FB9] =	sst s10  }
0x35: {  	s10 =	sld [smem:$0x3FB8];
	_ =	sdelay $0x3  }
0x36: {  	p1 =	seq.s32 s10, $0x1;
	s10 =	sld [smem:$0x3FB9];
	_ =	sdelay $0x3  }
0x37: {  	[smem:$0x3FB9] =	sst s10  }
0x38: {  	s10 =	sld [smem:$0x3FBA]  }
0x39: {  	_ = 	snop;
	(pc) =	sbr.ind lr, $3  }
0x3a: {  	_ = 	snop  }
0x3b: {  	_ = 	snop  }
0x3c: {  	p2 =	seq.s32 s10, $0x1;
	s10 =	sld [smem:$0x3FB9]  }
0x3d: {  	_ =	shalt  }
0x3e: {  	_ =	shalt  }
0x3f: {  	_ =	shalt  }
0x40: {  	_ =	shalt  }
0x41: {  	_ =	shalt  }
0x42: {  	_ =	shalt  }
0x43: {  	_ =	shalt  }
0x44: {  	_ =	shalt  }
0x45: {  	_ =	shalt  }
0x46: {  	_ =	shalt  }
0x47: {  	_ =	shalt  }
0x48: {  	_ =	shalt  }
0x49: {  	_ =	shalt  }
0x4a: {  	_ =	shalt  }
0x4b: {  	_ =	shalt  }
0x4c: {  	_ =	shalt  }
0x4d: {  	_ =	shalt  }
0x4e: {  	_ =	shalt  }
0x4f: {  	_ =	shalt  }
0x50: {  	_ =	shalt  }
0x51: {  	_ =	shalt  }
0x52: {  	_ =	shalt  }
0x53: {  	_ =	shalt  }
0x54: {  	_ =	shalt  }
0x55: {  	_ =	shalt  }
0x56: {  	_ =	shalt  }
0x57: {  	_ =	shalt  }
0x58: {  	_ =	shalt  }
0x59: {  	_ =	shalt  }
0x5a: {  	_ =	shalt  }
0x5b: {  	_ =	shalt  }
0x5c: {  	_ =	shalt  }
0x5d: {  	_ =	shalt  }
0x5e: {  	_ =	shalt  }
0x5f: {  	_ =	shalt  }
0x60: {  	_ =	shalt  }
0x61: {  	_ =	shalt  }
0x62: {  	_ =	shalt  }
0x63: {  	_ =	shalt  }
0x64: {  	_ =	shalt  }
0x65: {  	_ =	shalt  }
0x66: {  	_ =	shalt  }
0x67: {  	_ =	shalt  }
0x68: {  	_ =	shalt  }
0x69: {  	_ =	shalt  }
0x6a: {  	_ =	shalt  }
0x6b: {  	_ =	shalt  }
0x6c: {  	_ =	shalt  }
0x6d: {  	_ =	shalt  }
0x6e: {  	_ =	shalt  }
0x6f: {  	_ =	shalt  }
0x70: {  	_ =	shalt  }
0x71: {  	_ =	shalt  }
0x72: {  	_ =	shalt  }
0x73: {  	_ =	shalt  }
0x74: {  	_ =	shalt  }
0x75: {  	_ =	shalt  }
0x76: {  	_ =	shalt  }
0x77: {  	_ =	shalt  }
0x78: {  	_ =	shalt  }
0x79: {  	_ =	shalt  }
0x7a: {  	_ =	shalt  }
0x7b: {  	_ =	shalt  }
0x7c: {  	_ =	shalt  }
0x7d: {  	_ =	shalt  }
0x7e: {  	_ =	shalt  }
0x7f: {  	_ =	shalt  }
0x80: {  	_ =	shalt  }
0x81: {  	_ =	shalt  }
0x82: {  	_ =	shalt  }
0x83: {  	_ =	shalt  }
0x84: {  	_ =	shalt  }
0x85: {  	_ =	shalt  }
0x86: {  	_ =	shalt  }
0x87: {  	_ =	shalt  }
.Lfunc_end0:
.L_simem_size_0:
called_computation.1_lowered:
.L_overlay_start_0:
0x88: {  	s2 =	sld [smem:$0x3FD9]  }
0x89: {  	s3 =	sld [smem:$0x3FFE];
	_ =	sdelay $0x1  }
0x8a: {  	s1 =	srdreg.scid  }
0x8b: {  	s0 =	sand.u32 $0x1, s1  }
0x8c: {  	s17 =	sshll.u32 s0, $0xA;
	s2 =	sadd.s32 s3, s2  }
0x8d: {  	s2 =	sadd.s32 s2, s17  }
0x8e: {  	[smem:$0x3FC5] =	sst s2  }
0x8f: {  	_ = 	snop  }
0x90: {  	s2 =	sld [smem:$0x3FC7]  }
0x91: {  	s18 =	sld [smem:$0x3FD0];
	(tm) =	ssettm $0x1  }
0x92: {  	s4 =	sld [smem:$0x3FFB];
	_ =	sdelay $0x3  }
0x93: {  	_ =	strace s4  }
0x94: {  	s4 =	sld [smem:$0x3FFC];
	_ =	sdelay $0x3  }
0x95: {  	_ =	strace s4  }
0x96: {  	s4 =	sld [smem:$0x3FFD];
	_ =	sdelay $0x3  }
0x97: {  	_ =	strace s4  }
0x98: {  	_ =	strace $0x8FFFFFFF  }
0x99: {  	s19 =	sld [smem:$0x3FDB];
	_ =	sdelay $0x1  }
0x9a: {  	s5 =	simm.s32 $_scs_section_size  }
0x9b: {  	s6 =	simm.s32 $_size__tile_overlayer_lowered;
	s7 =	simm.s32 $_tile_overlayer_lowered  }
0x9c: {  	s22 =	simm.s32 $0x1BFF;
	s21 =	sshll.u32 s7, $0x1;
	s4 =	sadd.s32 s5, s19  }
0x9d: {  	s8 =	simm.s32 $0x0;
	s20 =	sshll.u32 s6, $0x1;
	s6 =	sadd.s32 s21, s4  }
0x9e: {  	[timem:s8], [sflag:s22] =	dma.local [hbm:s6], s20  }
0x9f: {  	_ =	swait.ge [sflag:s22], s20  }
0xa0: {  	s5 =	ssub.s32 $0x0, s20;
	[sflag:s22] =	ssyncset.done $0x0  }
0xa1: {  	[sflag:s22] =	ssyncadd.s32 s5;
	_ =	sdelay $0x1  }
0xa2: {  	s23 =	simm.s32 $0x1B8B  }
0xa3: {  	_ =	swait.ge [sflag:s23], $0x1  }
0xa4: {  	[sflag:s23] =	ssyncset.done $0x0  }
0xa5: {  	s25 =	simm.s32 $0x1B8E;
	s24 =	sld [smem:$0x3FFE];
	[sflag:s23] =	ssyncadd.s32 $0xFFFFFFFF  }
0xa6: {  	s26 =	simm.s32 $execute0_lowered;
	[smem:$0x3FD2] =	sst s25  }
0xa7: {  	s6 =	sshll.u32 s26, $0x1;
	_ =	strace $0x80000049;
	[dreg:$0x1] =	wrdreg $0xFFFFFFFF  }
0xa8: {  	s28 =	simm.s32 $_size_execute0_lowered;
	s4 =	sadd.s32 s4, s6;
	[dreg:$0x0] =	wrdreg $0x0  }
0xa9: {  	s6 =	sshll.u32 s28, $0x1;
	[dreg:$0x2] =	wrdreg s4  }
0xaa: {  	[dreg:$0x3] =	wrdreg s6  }
0xab: {  	[dreg:$0x4] =	wrdreg $0xC0  }
0xac: {  	_ =	task [dreg:s8], $0x5FFFF  }
0xad: {  	[dreg:$0x1] =	wrdreg $0xFFFFFFFF  }
0xae: {  	[dreg:$0x0] =	wrdreg $0x60  }
0xaf: {  	[dreg:$0x2] =	wrdreg s24  }
0xb0: {  	[dreg:$0x3] =	wrdreg s2  }
0xb1: {  	[dreg:$0x4] =	wrdreg s18  }
0xb2: {  	[dreg:$0x5] =	wrdreg $0x90000  }
0xb3: {  	[dreg:$0x6] =	wrdreg $0xF1C00  }
0xb4: {  	[dreg:$0x7] =	wrdreg $0x9  }
0xb5: {  	_ =	task.clear_ibuf [dreg:s8], $0x8FFFF;
	_ =	strace $0x90000049  }
0xb6: {  	s29 =	simm.s32 $0x9;
	_ =	strace $0x8000004B  }
0xb7: {  	_ =	swait.ge [sflag:s29], $0x1  }
0xb8: {  	[sflag:s29] =	ssyncadd.s32 $0xFFFFFFFF  }
0xb9: {  	_ =	strace $0x9000004B  }
0xba: {  	_ =	sfence  }
0xbb: {  	s30 =	sld [smem:$0x0];
	_ =	sdelay $0x2  }
0xbc: {  	s31 =	sshll.u32 s1, $0xD;
	s1 =	sshrl.u32 s1, $0x2  }
0xbd: {  	s3 =	sand.u32 $0x4000, s31;
	s1 =	sadd.s32 s1, s30  }
0xbe: {  	s0 =	sor.u32 s3, s0;
	s1 =	sshll.u32 s1, $0x11  }
0xbf: {  	s0 =	sor.u32 s1, s0  }
0xc0: {  	s0 =	sadd.s32 $0x8F2B, s0  }
0xc1: {  	[sflag:s0] =	ssyncadd.remote.s32 $0x1  }
0xc2: {  	_ =	sfence.sel $0xFFFF  }
0xc3: {  	[dreg:$0x0] =	wrdreg $0xFFFFFFFF;
	(pc) =	sbr.abs _section_cstart, $3  }
0xc4: {  	[dreg:$0x1] =	wrdreg $0xFFFFFFFF  }
0xc5: {  	_ =	task.clear_ibuf [dreg:s8], $0x2FFFF;
	_ =	strace $0x9FFFFFFF  }
0xc6: {  	(tm) =	ssettm $0x7FFFFFFF  }
0xc7: {  	_ =	shalt  }
tec
execute0_lowered:
.L_overlay_start_1:
0x0: {  	(tag) =	ssettag $0x1  }
0x1: {  	s2 =	rddreg [dreg:$0x0]  }
0x2: {  	s1 =	rddreg [dreg:$0x1]  }
0x3: {  	s4 =	rddreg [dreg:$0x3];
	s3 =	srdreg.scid  }
0x4: {  	s0 =	stileid.u32;
	s5 =	rddreg [dreg:$0x4];
	s6 =	simm.s32 $0x0  }
0x5: {  	s16 =	simm.s32 $0x1;
	s18 =	simm.s32 $0x2;
	s19 =	simm.s32 $0x1800  }
0x6: {  	s20 =	simm.s32 $0x2000;
	s21 =	simm.s32 $0x2800;
	s22 =	simm.s32 $0x5000  }
0x7: {  	s23 =	simm.s32 $0x3000;
	s24 =	simm.s32 $0x7000;
	s25 =	simm.s32 $0x0  }
0x8: {  	s3 =	sand.u32 $0x1, s3;
	s12 =	smul.u32 $0x61C0, s0;
	[smem:$0x7FF] =	sst s6  }
0x9: {  	s28 =	sshll.u32 s0, $0x6;
	s7 =	smul.u32 $0x61C00, s3;
	s10 =	ssub.s32 $0x2, s3  }
0xa: {  	v0 =	vimm.s32 $0xBBA98876;
	s11 =	sadd.s32 $0xC4500, s2;
	_ =	strace $0x8000004A;
	s26 =	sshrl.u32 s10, $0x1  }
0xb: {  	v1 =	vimm.s32 $0x55432210;
	v0 =	vunpack.c.l.s4.s8 v0;
	s15 =	sadd.s32 s12, s4;
	s29 =	sadd.s32 s12, s5;
	s8 =	sadd.s32 s12, s7  }
.Ltmp0:
0xc: {  	vm0 =	vcmask $0x1B10;
	vm1 =	vcmask $0xB00;
	v1 =	vunpack.c.l.s4.s8 v1;
	s7 =	sadd.s32 $0x632FA00, s2;
	s9 =	sshrl.u32 s8, $0x3;
	(pc) =	sbr.rel .LBB2_1-.Ltmp0, $4  }
0xd: {  	vm0 =	vmor vm1, vm0;
	vm1 =	vcmask $0x2B20;
	v0 =	vunpack.c.0.s8.s32 v0;
	s14 =	ssub.s32 s10, s26;
	s10 =	sor.u32 $0x1C01, s28;
	s13 =	sadd.s32 s9, s2  }
0xe: {  	vm0 =	vmor vm0, vm1;
	vm1 =	vcmask $0x3B30;
	v1 =	vunpack.c.0.s8.s32 v1;
	s15 =	sshrl.u32 s15, $0x3;
	s17 =	sshrl.u32 s29, $0x3;
	s30 =	sadd.s32 $0x187A00, s13  }
0xf: {  	v2 =	vlaneseq.u32;
	vm0 =	vmor vm0, vm1;
	s8 =	sadd.s32 $0x1000, s2;
	v0 =	vand.u32 $0xF, v0;
	s31 =	sadd.s32 $0x1A0200, s13;
	[dreg:$0x6] =	wrdreg s30  }
0x10: {  	s14 =	smax.u32 s14, $0x1;
	s9 =	sshll.u32 s3, $0x4;
	v0 =	vcombine.low v1, v0;
	v1 =	vshrl.u32 v2, $0x2;
	v2 =	vand.u32 $0x3, v2;
	[dreg:$0x7] =	wrdreg s31  }
.LBB2_7:
0x11: {  	[bflag:$0x0] =	sbarrier.arrive $0xFFFF  }
0x12: {  	s2 =	rddreg [dreg:$0x6]  }
0x13: {  	[hbm:s2], [sflag:s10] =	dma.local [spmem:s15], $0xC38  }
0x14: {  	s25 =	sadd.s32 $0x1, s25;
	_ =	swait.ge [sflag:s16], $0xC38  }
0x15: {  	p0 =	sne.s32 s25, s14;
	[sflag:s16] =	ssyncset.done $0x0  }
.Ltmp1:
0x16: {  	s31 =	rddreg [dreg:$0x7];
	[sflag:s16] =	ssyncadd.s32 $0xFFFFF3C8;
	(pc) =	sbr.rel @!p0 .LBB2_8-.Ltmp1, $4  }
0x17: {  	[hbm:s31], [sflag:s10] =	dma.local [spmem:s17], $0xC38  }
0x18: {  	_ =	swait.ge [sflag:s16], $0xC38  }
0x19: {  	[sflag:s16] =	ssyncset.done $0x0  }
0x1a: {  	[sflag:s16] =	ssyncadd.s32 $0xFFFFF3C8  }
.LBB2_1:
0x1b: {  	s2 =	rddreg [dreg:$0x2]  }
0x1c: {  	[spmem:s15], [sflag:s10] =	dma.local [hbm:s2], $0xC38  }
0x1d: {  	_ =	swait.ge [sflag:s16], $0xC38  }
0x1e: {  	[sflag:s16] =	ssyncset.done $0x0  }
0x1f: {  	[sflag:s16] =	ssyncadd.s32 $0xFFFFF3C8  }
0x20: {  	[spmem:s17], [sflag:s10] =	dma.local [hbm:s2], $0xC38  }
.Ltmp2:
0x21: {  	_ =	swait.ge [sflag:s16], $0xC38;
	(pc) =	sbr.rel .LBB2_2-.Ltmp2, $4  }
0x22: {  	[sflag:s16] =	ssyncset.done $0x0  }
0x23: {  	[sflag:s16] =	ssyncadd.s32 $0xFFFFF3C8  }
0x24: {  	[bflag:$0x0] =	sbarrier.arrive $0xFFFF  }
0x25: {  	s26 =	simm.s32 $0x0  }
.LBB2_6:
0x26: {  	s26 =	sadd.s32 $0x1, s26  }
0x27: {  	p0 =	sne.s32 s26, $0x62  }
.Ltmp3:
0x28: {  	_ = 	snop;
	(pc) =	sbr.rel @!p0 .LBB2_7-.Ltmp3, $1  }
0x29: {  	_ =	sdelay $0x3  }
.LBB2_2:
0x2a: {  	s2 =	sshll.u32 s26, $0x5  }
0x2b: {  	s2 =	sor.u32 s2, s9  }
0x2c: {  	s2 =	sor.u32 s0, s2  }
0x2d: {  	p0 =	sgt.u32 s2, $0xC34  }
.Ltmp4:
0x2e: {  	_ = 	snop;
	(pc) =	sbr.rel @p0 .LBB2_6-.Ltmp4, $1  }
0x2f: {  	_ =	sdelay $0x3  }
0x30: {  	s3 =	smul.u32 $0x300, s2;
	_ =	sdelay $0x1  }
0x31: {  	s28 =	simm.s32 $0x0;
	s3 =	sadd.s32 s7, s3  }
0x32: {  	[tilespmem:s28], [sflag:$0x2] =	stream.linear.gather [hbm4b:s3+s28], $0x1800, $0x38;
	[tilespmem:$0x15380] =	vst v63  }
0x33: {  	_ =	swait.ge [sflag:s18], $0x1800  }
0x34: {  	s2 =	sshll.u32 s2, $0x8;
	[sflag:s18] =	ssyncset.done $0x0  }
0x35: {  	s12 =	sadd.s32 s1, s2;
	[sflag:s18] =	ssyncadd.s32 $0xFFFFE800  }
0x36: {  	[tilespmem:s19], [sflag:$0x2] =	stream.linear.gather [hbm4b:s12+s28], $0x800, $0x38;
	[tilespmem:$0x15380] =	vst v63  }
0x37: {  	_ =	swait.ge [sflag:s18], $0x800  }
0x38: {  	[sflag:s18] =	ssyncset.done $0x0  }
0x39: {  	s13 =	sadd.s32 s8, s2;
	[sflag:s18] =	ssyncadd.s32 $0xFFFFF800  }
0x3a: {  	[tilespmem:s20], [sflag:$0x2] =	stream.linear.gather [hbm4b:s13+s28], $0x800, $0x38;
	[tilespmem:$0x15380] =	vst v63  }
0x3b: {  	_ =	swait.ge [sflag:s18], $0x800  }
0x3c: {  	[sflag:s18] =	ssyncset.done $0x0  }
0x3d: {  	s2 =	sadd.s32 s2, s11;
	v3 =	vor.u32 s28, v1;
	[sflag:s18] =	ssyncadd.s32 $0xFFFFF800  }
0x3e: {  	[tilespmem:s21], [sflag:$0x2] =	stream.linear.gather [hbm4b:s2+s28], $0x800, $0x38;
	[tilespmem:$0x15380] =	vst v63  }
0x3f: {  	v4 =	vadd.s32 s28, v0;
	_ =	swait.ge [sflag:s18], $0x800  }
0x40: {  	[sflag:s18] =	ssyncset.done $0x0  }
0x41: {  	[sflag:s18] =	ssyncadd.s32 $0xFFFFF800  }
0x42: {  	v5 =	vld.idx.msk [tilespmem:v3+s19+$0x0], $0xffff;
	_ =	sdelay $0x1  }
0x43: {  	v4 =	vld.idx.msk [tilespmem:v4+s6+$0x0], $0xffff  }
0x44: {  	v6 =	vld.idx.msk [tilespmem:v3+s20+$0x0], $0xffff  }
0x45: {  	v3 =	vld.idx.msk [tilespmem:v3+s21+$0x0], $0xffff  }
0x46: {  	v5 =	vadd.f32 v5, v5;
	_ =	sdelay $0x1  }
0x47: {  	v4 =	vmul.f32 v5, v4  }
0x48: {  	s30 =	simm.s32 $0x4;
	v5 =	vshll.u32 v6, $0x2  }
0x49: {  	s28 =	simm.s32 $0x3000;
	v6 =	vshll.u32 v3, $0x2;
	v3 =	vor.u32 s30, v1;
	v4 =	vnsel vm0, $0x0, v4  }
0x4a: {  	s29 =	simm.s32 $0x5000;
	s31 =	simm.s32 $0xC;
	v5 =	vor.u32 v2, v5;
	[tilespmem:s28+$0x0] =	vst v4  }
0x4b: {  	s3 =	simm.s32 $0x7000;
	s2 =	simm.s32 $0x8;
	s30 =	simm.s32 $0x7010;
	v4 =	vadd.s32 s31, v0;
	[tilespmem:s29+$0x0] =	vst v5;
	v5 =	vor.u32 v2, v6  }
.LBB2_4:
0x4c: {  	s28 =	sadd.s32 $0x10, s28;
	s29 =	sadd.s32 $0x10, s29  }
0x4d: {  	[tilespmem:s3+$0x0] =	vst v5;
	s12 =	smov.u32 s2;
	s13 =	sadd.s32 $0x4, s2;
	s3 =	smov.u32 s30  }
0x4e: {  	p0 =	sne.s32 s2, $0x7FC;
	v5 =	vld.idx.msk [tilespmem:v3+s19+$0x0], $0xffff;
	_ =	sdelay $0x1  }
0x4f: {  	v4 =	vld.idx.msk [tilespmem:v4+s6+$0x0], $0xffff;
	_ =	sdelay $0x1  }
0x50: {  	v6 =	vld.idx.msk [tilespmem:v3+s20+$0x0], $0xffff  }
0x51: {  	v7 =	vld.idx.msk [tilespmem:v3+s21+$0x0], $0xffff  }
0x52: {  	v3 =	vadd.f32 v5, v5;
	_ =	sdelay $0x1  }
.Ltmp5:
0x53: {  	v4 =	vmul.f32 v3, v4;
	(pc) =	sbr.rel @p0 .LBB2_4-.Ltmp5, $4  }
0x54: {  	v3 =	vor.u32 s12, v1  }
0x55: {  	s31 =	sadd.s32 $0xC, s31;
	v5 =	vnsel vm0, $0x0, v4;
	v6 =	vshll.u32 v6, $0x2  }
0x56: {  	v4 =	vadd.s32 s31, v0;
	[tilespmem:s28+$0x0] =	vst v5;
	v5 =	vor.u32 v2, v6;
	v6 =	vshll.u32 v7, $0x2  }
0x57: {  	s30 =	sadd.s32 $0x10, s30;
	s2 =	smov.u32 s13;
	[tilespmem:s29+$0x0] =	vst v5;
	v5 =	vor.u32 v2, v6  }
0x58: {  	_ =	sdelay $0x2  }
0x59: {  	[tilespmem:s3+$0x0] =	vst v5  }
0x5a: {  	v5 =	vld.idx.msk [tilespmem:v3+s19+$0x0], $0xffff;
	_ =	sdelay $0x1  }
0x5b: {  	v4 =	vld.idx.msk [tilespmem:v4+s6+$0x0], $0xffff;
	_ =	sdelay $0x1  }
0x5c: {  	v6 =	vld.idx.msk [tilespmem:v3+s20+$0x0], $0xffff  }
0x5d: {  	v3 =	vld.idx.msk [tilespmem:v3+s21+$0x0], $0xffff;
	v5 =	vadd.f32 v5, v5;
	_ =	sdelay $0x1  }
0x5e: {  	v4 =	vmul.f32 v5, v4;
	_ =	sdelay $0x1  }
0x5f: {  	s2 =	sadd.s32 $0x10, s28;
	v62 =	vshll.u32 v6, $0x2;
	v4 =	vnsel vm0, $0x0, v4  }
0x60: {  	s31 =	sadd.s32 $0x10, s29;
	v3 =	vshll.u32 v3, $0x2;
	v63 =	vor.u32 v2, v62;
	[tilespmem:s2+$0x0] =	vst v4  }
0x61: {  	v3 =	vor.u32 v2, v3;
	[tilespmem:s31+$0x0] =	vst v63  }
0x62: {  	[tilespmem:s30+$0x0] =	vst v3  }
0x63: {  	[spmem:s4] =	stream.indirect.scatter.add.f32 [tilespmem:s23], [sflag:$0x2], $0x1, s22, s20, $0xb8;
	[tilespmem:$0x15380] =	vst v63  }
0x64: {  	_ =	swait.ge [sflag:s18], $0x2000  }
0x65: {  	[sflag:s18] =	ssyncset.done $0x0  }
.Ltmp6:
0x66: {  	[sflag:s18] =	ssyncadd.s32 $0xFFFFE000;
	(pc) =	sbr.rel .LBB2_6-.Ltmp6, $4  }
0x67: {  	[spmem:s5] =	stream.indirect.scatter.add.f32 [tilespmem:s23], [sflag:$0x1], $0x1, s24, s20, $0xb8;
	[tilespmem:$0x15380] =	vst v63  }
0x68: {  	_ =	swait.ge [sflag:s16], $0x2000  }
0x69: {  	[sflag:s16] =	ssyncset.done $0x0  }
0x6a: {  	[sflag:s16] =	ssyncadd.s32 $0xFFFFE000  }
.LBB2_8:
0x6b: {  	_ =	sfence.sel $0x180000  }
0x6c: {  	[bflag:$0x0] =	sbarrier.arrive $0xFFFF  }
0x6d: {  	_ =	strace $0x9000004A  }
0x6e: {  	[bflag:$0x2] =	sbarrier.arrive $0xFFFF  }
0x6f: {  	p0 =	sne.s32 s0, $0x0;
	s0 =	rddreg [dreg:$0x5]  }
0x70: {  	s0 =	sadd.s32 @!p0 $0x100000, s0  }
0x71: {  	[sflag:s0] =	ssyncadd.tile.s32 @!p0 $0x1;
	_ =	shalt  }
.Lfunc_end2:
_tile_overlayer_lowered:
.L_overlay_start_2:
0x72: {  	(tag) =	ssettag $0x2  }
0x73: {  	s0 =	rddreg [dreg:$0x0];
	s2 =	stileid.u32  }
0x74: {  	s1 =	rddreg [dreg:$0x1];
	p0 =	sne.s32 s2, $0x0  }
0x75: {  	s3 =	rddreg [dreg:$0x2];
	[bflag:$0x3] =	sbarrier.arrive $0xFFFF;
	s2 =	simm.s32 @!p0 $0x1C01  }
0x76: {  	[timem:s3], [sflag:s2] =	dma.local @!p0 [hbm:s0], s1  }
0x77: {  	s0 =	simm.s32 @!p0 $0x1  }
0x78: {  	_ =	swait.ge @!p0 [sflag:s0], s1  }
0x79: {  	s1 =	ssub.s32 @!p0 $0x0, s1;
	[sflag:s0] =	ssyncset.done @!p0 $0x0  }
0x7a: {  	[sflag:s0] =	ssyncadd.s32 @!p0 s1  }
0x7b: {  	[bflag:$0x3] =	sbarrier.arrive $0xFFFF  }
0x7c: {  	_ =	shalt  }

// kernel: sparse-core-data-format-call.cloned.1.call-start
scs
called_computation_lowered:
.L_overlay_start_0:
0x0: {  	s2 =	sld [smem:$0x3FD9]  }
0x1: {  	s3 =	sld [smem:$0x3FFE];
	_ =	sdelay $0x1  }
0x2: {  	s1 =	srdreg.scid  }
0x3: {  	s0 =	sand.u32 $0x1, s1  }
0x4: {  	s18 =	sshll.u32 s0, $0xA;
	s2 =	sadd.s32 s3, s2  }
0x5: {  	s2 =	sadd.s32 s2, s18  }
0x6: {  	[smem:$0x3FC5] =	sst s2  }
0x7: {  	_ = 	snop  }
0x8: {  	s2 =	sld [smem:$0x3FC8];
	(tm) =	ssettm $0x1  }
0x9: {  	s19 =	sld [smem:$0x3FFB];
	_ =	sdelay $0x3  }
0xa: {  	_ =	strace s19  }
0xb: {  	s3 =	sld [smem:$0x3FFC];
	_ =	sdelay $0x3  }
0xc: {  	_ =	strace s3  }
0xd: {  	s3 =	sld [smem:$0x3FFD];
	_ =	sdelay $0x3  }
0xe: {  	_ =	strace s3  }
0xf: {  	_ =	strace $0x8FFFFFFF  }
0x10: {  	s20 =	sld [smem:$0x3FDB];
	_ =	sdelay $0x1  }
0x11: {  	s4 =	simm.s32 $_scs_section_size  }
0x12: {  	s5 =	simm.s32 $_size__tile_overlayer_lowered;
	s6 =	simm.s32 $_tile_overlayer_lowered  }
0x13: {  	s23 =	simm.s32 $0x1BFF;
	s22 =	sshll.u32 s6, $0x1;
	s3 =	sadd.s32 s4, s20  }
0x14: {  	s7 =	simm.s32 $0x0;
	s21 =	sshll.u32 s5, $0x1;
	s5 =	sadd.s32 s22, s3  }
0x15: {  	[timem:s7], [sflag:s23] =	dma.local [hbm:s5], s21  }
0x16: {  	_ =	swait.ge [sflag:s23], s21  }
0x17: {  	s4 =	ssub.s32 $0x0, s21;
	[sflag:s23] =	ssyncset.done $0x0  }
0x18: {  	[sflag:s23] =	ssyncadd.s32 s4;
	_ =	sdelay $0x1  }
0x19: {  	s24 =	simm.s32 $0x1B8B  }
0x1a: {  	_ =	swait.ge [sflag:s24], $0x1  }
0x1b: {  	[sflag:s24] =	ssyncset.done $0x0  }
0x1c: {  	s26 =	simm.s32 $0x1B8E;
	s25 =	sld [smem:$0x3FFE];
	[sflag:s24] =	ssyncadd.s32 $0xFFFFFFFF  }
0x1d: {  	s27 =	simm.s32 $execute0_lowered;
	[smem:$0x3FD2] =	sst s26  }
0x1e: {  	s5 =	sshll.u32 s27, $0x1;
	_ =	strace $0x80000046;
	[dreg:$0x1] =	wrdreg $0xFFFFFFFF  }
0x1f: {  	s28 =	simm.s32 $_size_execute0_lowered;
	s3 =	sadd.s32 s3, s5;
	[dreg:$0x0] =	wrdreg $0x0  }
0x20: {  	s5 =	sshll.u32 s28, $0x1;
	[dreg:$0x2] =	wrdreg s3  }
0x21: {  	[dreg:$0x3] =	wrdreg s5  }
0x22: {  	[dreg:$0x4] =	wrdreg $0xC0  }
0x23: {  	_ =	task [dreg:s7], $0x5FFFF  }
0x24: {  	[dreg:$0x1] =	wrdreg $0xFFFFFFFF  }
0x25: {  	[dreg:$0x0] =	wrdreg $0x60  }
0x26: {  	[dreg:$0x2] =	wrdreg s2  }
0x27: {  	[dreg:$0x3] =	wrdreg s25  }
0x28: {  	[dreg:$0x4] =	wrdreg $0x9  }
0x29: {  	_ =	task.clear_ibuf [dreg:s7], $0x5FFFF;
	_ =	strace $0x90000046  }
0x2a: {  	s29 =	simm.s32 $0x9;
	_ =	strace $0x80000048  }
0x2b: {  	_ =	swait.ge [sflag:s29], $0x1  }
0x2c: {  	[sflag:s29] =	ssyncadd.s32 $0xFFFFFFFF  }
0x2d: {  	_ =	strace $0x90000048  }
0x2e: {  	_ =	sfence  }
0x2f: {  	s30 =	sld [smem:$0x0];
	_ =	sdelay $0x2  }
0x30: {  	s31 =	sshll.u32 s1, $0xD;
	s1 =	sshrl.u32 s1, $0x2  }
0x31: {  	s3 =	sand.u32 $0x4000, s31;
	s1 =	sadd.s32 s1, s30  }
0x32: {  	s0 =	sor.u32 s3, s0;
	s1 =	sshll.u32 s1, $0x11  }
0x33: {  	s0 =	sor.u32 s1, s0  }
0x34: {  	s0 =	sadd.s32 $0x8F2B, s0  }
0x35: {  	[sflag:s0] =	ssyncadd.remote.s32 $0x1  }
0x36: {  	_ =	sfence.sel $0xFFFF  }
0x37: {  	[dreg:$0x0] =	wrdreg $0xFFFFFFFF;
	(pc) =	sbr.abs _section_cstart, $3  }
0x38: {  	[dreg:$0x1] =	wrdreg $0xFFFFFFFF  }
0x39: {  	_ =	task.clear_ibuf [dreg:s7], $0x2FFFF;
	_ =	strace $0x9FFFFFFF  }
0x3a: {  	(tm) =	ssettm $0x7FFFFFFF  }
0x3b: {  	_ =	shalt  }
tec
execute0_lowered:
.L_overlay_start_1:
0x0: {  	(tag) =	ssettag $0x1  }
0x1: {  	s0 =	stileid.u32;
	s7 =	rddreg [dreg:$0x0]  }
0x2: {  	s1 =	srdreg.scid;
	s4 =	rddreg [dreg:$0x1]  }
0x3: {  	s30 =	simm.s32 $0x2;
	s10 =	simm.s32 $0x0;
	s14 =	simm.s32 $0x0  }
0x4: {  	s15 =	simm.s32 $0x0;
	s11 =	simm.s32 $0x0;
	s13 =	simm.s32 $0x0  }
0x5: {  	s2 =	sand.u32 $0x1, s1;
	s3 =	sshll.u32 s0, $0x7;
	s1 =	rddreg [dreg:$0x2]  }
0x6: {  	_ =	strace $0x80000047;
	s5 =	ssub.s32 $0xC300, s3;
	s6 =	ssub.s32 $0x2, s2  }
.Ltmp0:
0x7: {  	s5 =	sshrl.u32 s5, $0xB;
	s8 =	sshrl.u32 s6, $0x1;
	(pc) =	sbr.rel .LBB1_1-.Ltmp0, $4  }
0x8: {  	s4 =	sadd.s32 $0x1000, s4;
	s9 =	sadd.s32 $0x1, s5;
	s6 =	ssub.s32 s6, s8  }
0x9: {  	s31 =	sshll.u32 s2, $0x4;
	s5 =	simm.s32 $0x1;
	s6 =	smul.u32 s9, s6  }
0xa: {  	s12 =	smov.u32 s3;
	s7 =	sadd.s32 s7, s31;
	[sflag:s5] =	ssyncpa.u1 $0x0  }
0xb: {  	s9 =	simm.s32 $0x0;
	[sflag:s30] =	ssyncpa.u1 $0x0;
	s8 =	sadd.s32 $0x1, s6  }
.LBB1_4:
0xc: {  	s21 =	simm.s32 $0x0  }
.LBB1_8:
0xd: {  	_ =	sdelay $0x3  }
0xe: {  	v6 =	vld [tilespmem:s18+$0xFFFFFFC0];
	[tilespmem:v0+s20+$0x30 ss:$0x1] =	vst.idx.msk @p0 $0xffff, v2  }
0xf: {  	v58 =	vld [tilespmem:s18+$0xFFFFFFD0];
	[tilespmem:v0+s20+$0x40 ss:$0x1] =	vst.idx.msk @p0 $0xffff, v3;
	s21 =	sadd.s32 @p0 $0x80, s21  }
0x10: {  	v59 =	vld [tilespmem:s18+$0xFFFFFFE0];
	[tilespmem:v0+s20+$0x50 ss:$0x1] =	vst.idx.msk @p0 $0xffff, v5;
	s19 =	smov.u32 @p0 s21  }
0x11: {  	v60 =	vld [tilespmem:s18+$0xFFFFFFF0];
	[tilespmem:v0+s20+$0x60 ss:$0x1] =	vst.idx.msk @p0 $0xffff, v4;
	s19 =	sand.u32 $0x3F80, s19  }
0x12: {  	v61 =	vld [tilespmem:s18+$0x0];
	[tilespmem:v0+s19+$0x70 ss:$0x1] =	vst.idx.msk $0xffff, v1  }
0x13: {  	v62 =	vld [tilespmem:s18+$0x10];
	[tilespmem:v0+s19+$0x0 ss:$0x1] =	vst.idx.msk $0xffff, v6  }
0x14: {  	v63 =	vld [tilespmem:s18+$0x20];
	[tilespmem:v0+s19+$0x10 ss:$0x1] =	vst.idx.msk $0xffff, v58  }
0x15: {  	[tilespmem:v0+s19+$0x20 ss:$0x1] =	vst.idx.msk $0xffff, v59  }
0x16: {  	[tilespmem:v0+s19+$0x30 ss:$0x1] =	vst.idx.msk $0xffff, v60  }
0x17: {  	[tilespmem:v0+s19+$0x40 ss:$0x1] =	vst.idx.msk $0xffff, v61  }
0x18: {  	[tilespmem:v0+s19+$0x50 ss:$0x1] =	vst.idx.msk $0xffff, v62  }
0x19: {  	[tilespmem:v0+s19+$0x60 ss:$0x1] =	vst.idx.msk $0xffff, v63  }
.LBB1_9:
0x1a: {  	s18 =	sand.u32 $0x1FFFFFF, s11  }
0x1b: {  	s19 =	smulhi.u32 $0x14F8B59, s18;
	_ =	sdelay $0x1  }
0x1c: {  	s19 =	sshrl.u32 s19, $0x8  }
0x1d: {  	s19 =	smul.u32 $0xC350, s19  }
0x1e: {  	s15 =	smul.u32 $0xC3500, s15  }
0x1f: {  	s18 =	ssub.s32 s18, s19  }
0x20: {  	s15 =	sadd.s32 s4, s15;
	s18 =	sshll.u32 s18, $0x4  }
0x21: {  	s15 =	sadd.s32 s18, s15  }
0x22: {  	[hbm4b:s15+s9] =	stream.linear.scatter [tilespmem:s17], [sflag:$0x2], s16, $0x38;
	[tilespmem:$0x10000] =	vst v63  }
.LBB1_10:
0x23: {  	p0 =	slt.u32 s13, $0x2  }
0x24: {  	p1 =	sgt.s32 @!p0 s14, $0xC2D0  }
0x25: {  	s15 =	smov.u32 s14;
	s16 =	sshra.s32 @!p0 s14, $0x1F;
	p1 =	por !p1, p0  }
0x26: {  	s14 =	sand.u32 @!p0 s16, s14;
	s15 =	simm.s32 @p1 $0xC2D0  }
0x27: {  	s14 =	ssub.s32 @!p0 s15, s14  }
0x28: {  	s14 =	sadd.s32 @!p0 $0xFFFF3D30, s14  }
0x29: {  	s15 =	sshll.u32 @!p0 s14, $0x7  }
0x2a: {  	p1 =	sgt.s32 @!p0 s14, $0x7F;
	s14 =	ssub.s32 @!p0 $0x4000, s15  }
0x2b: {  	s16 =	sadd.s32 $0x800, s12;
	p1 =	por !p1, p0;
	s14 =	sand.u32 @!p0 $0x3FFFFF80, s14  }
0x2c: {  	s14 =	simm.s32 @!p1 $0x0;
	p1 =	sgt.s32 s16, $0xC34F  }
0x2d: {  	s16 =	smov.u32 @p1 s3;
	p1 =	sne.s32 s13, s8  }
.Ltmp1:
0x2e: {  	_ = 	snop;
	(pc) =	sbr.rel @!p1 .LBB1_11-.Ltmp1, $4  }
0x2f: {  	s10 =	sadd.s32 $0x4000, s10;
	s15 =	simm.s32 @!p0 $0x2  }
0x30: {  	_ =	swait.ge @!p0 [sflag:s15], s14;
	s17 =	ssub.s32 @!p0 $0x0, s14;
	s14 =	smov.u32 s11  }
0x31: {  	s13 =	sadd.s32 $0x1, s13;
	s11 =	smov.u32 s12;
	[sflag:s15] =	ssyncset.done @!p0 $0x0  }
0x32: {  	s12 =	smov.u32 s16;
	[sflag:s15] =	ssyncadd.s32 @!p0 s17;
	s15 =	smov.u32 s2  }
.LBB1_1:
0x33: {  	p0 =	sge.u32 s13, s6  }
0x34: {  	p1 =	sgt.s32 @!p0 s12, $0xC2D0  }
0x35: {  	s16 =	smov.u32 s12;
	s17 =	sshra.s32 @!p0 s12, $0x1F;
	p1 =	por !p1, p0  }
0x36: {  	s17 =	sand.u32 @!p0 s17, s12;
	s16 =	simm.s32 @p1 $0xC2D0  }
0x37: {  	s16 =	ssub.s32 @!p0 s16, s17  }
0x38: {  	s31 =	sadd.s32 $0xFFFFFFFF, s13;
	s18 =	sxor.u32 @!p0 $0xFFFFFFFF, s13;
	s16 =	sadd.s32 @!p0 $0xFFFF3D30, s16  }
0x39: {  	s19 =	simm.s32 @!p0 $0x80;
	s20 =	simm.s32 @!p0 $0x100;
	s17 =	sshll.u32 @!p0 s16, $0x7  }
0x3a: {  	p1 =	sgt.s32 @!p0 s16, $0x7F;
	s16 =	ssub.s32 @!p0 $0x4000, s17;
	s17 =	sshll.u32 @!p0 s18, $0xE  }
0x3b: {  	p1 =	por !p1, p0;
	s18 =	sshll.u32 @!p0 s12, $0x5;
	s16 =	sand.u32 @!p0 $0x3FFFFF80, s16  }
0x3c: {  	s17 =	sand.u32 @!p0 $0x4000, s17;
	s18 =	sadd.s32 @!p0 s18, s7;
	s16 =	simm.s32 @!p1 $0x0  }
0x3d: {  	[tilespmem:s17], [sflag:$0x1] =	stream.strided.gather @!p0 [hbm4b:s18+s19], s16, s20, s19, $0x38;
	[tilespmem:$0x10000] =	vst v63  }
0x3e: {  	p0 =	sge.u32 s31, s6  }
.Ltmp2:
0x3f: {  	_ = 	snop;
	(pc) =	sbr.rel @p0 .LBB1_10-.Ltmp2, $1  }
0x40: {  	_ =	sdelay $0x3  }
0x41: {  	p0 =	sgt.s32 s11, $0xC2D0;
	s16 =	smov.u32 s11;
	s17 =	sshra.s32 s11, $0x1F  }
0x42: {  	s16 =	simm.s32 @!p0 $0xC2D0;
	s17 =	sand.u32 s17, s11  }
0x43: {  	s16 =	ssub.s32 s16, s17  }
0x44: {  	s16 =	sadd.s32 $0xFFFF3D30, s16  }
0x45: {  	s30 =	sshll.u32 s16, $0x7  }
0x46: {  	s17 =	ssub.s32 $0x4000, s30  }
0x47: {  	p0 =	sgt.s32 s16, $0x7F;
	s16 =	sand.u32 $0x3FFFFF80, s17;
	s17 =	sadd.s32 $0x80, s11  }
0x48: {  	s16 =	simm.s32 @p0 $0x0;
	p0 =	slt.s32 s17, $0xC350  }
0x49: {  	s17 =	simm.s32 @!p0 $0xC350  }
0x4a: {  	s20 =	ssub.s32 s17, s11  }
0x4b: {  	p0 =	slt.s32 s20, $0x1  }
.Ltmp3:
0x4c: {  	_ = 	snop;
	(pc) =	sbr.rel @p0 .LBB1_9-.Ltmp3, $4  }
0x4d: {  	_ = 	snop  }
0x4e: {  	s19 =	sshll.u32 s13, $0xE;
	_ =	swait.ge [sflag:s5], s16  }
0x4f: {  	s31 =	sand.u32 $0x4000, s19;
	s18 =	ssub.s32 $0x0, s16;
	[sflag:s5] =	ssyncset.done $0x0  }
0x50: {  	s17 =	sor.u32 $0x8000, s31;
	[sflag:s5] =	ssyncadd.s32 s18  }
0x51: {  	p1 =	sne.s32 s20, $0x1  }
.Ltmp4:
0x52: {  	v0 =	vmov s17;
	(pc) =	sbr.rel @!p1 .LBB1_4-.Ltmp4, $4  }
0x53: {  	_ = 	snop  }
0x54: {  	s18 =	sand.u32 $0x4000, s10  }
0x55: {  	s18 =	sor.u32 $0x40, s18  }
0x56: {  	s19 =	simm.s32 $0x0;
	s21 =	sadd.s32 $0xFFFFFFFF, s20;
	p0 =	por $0x0, $0x0;
	v1 =	vld [tilespmem:s18+$0x30]  }
0x57: {  	v4 =	vld [tilespmem:s18+$0xFFFFFFC0]  }
0x58: {  	v6 =	vld [tilespmem:s18+$0xFFFFFFD0]  }
0x59: {  	v7 =	vld [tilespmem:s18+$0xFFFFFFE0];
	p1 =	sne.s32 s21, $0x1  }
.Ltmp5:
0x5a: {  	v2 =	vld [tilespmem:s18+$0xFFFFFFF0];
	s20 =	sand.u32 $0x3F80, s19;
	(pc) =	sbr.rel @!p1 .LBB1_6-.Ltmp5, $4  }
0x5b: {  	v3 =	vld [tilespmem:s18+$0x0];
	[tilespmem:v0+s20+$0x70 ss:$0x1] =	vst.idx.msk $0xffff, v1  }
0x5c: {  	v5 =	vld [tilespmem:s18+$0x10];
	[tilespmem:v0+s20+$0x0 ss:$0x1] =	vst.idx.msk $0xffff, v4  }
0x5d: {  	v4 =	vld [tilespmem:s18+$0x20];
	[tilespmem:v0+s20+$0x10 ss:$0x1] =	vst.idx.msk $0xffff, v6;
	s18 =	sadd.s32 $0x80, s18  }
0x5e: {  	s22 =	sadd.s32 $0xFFFFFFFF, s21;
	p0 =	por $0x1, $0x1;
	s21 =	simm.s32 $0x0;
	[tilespmem:v0+s20+$0x20 ss:$0x1] =	vst.idx.msk $0xffff, v7;
	v1 =	vld [tilespmem:s18+$0x30]  }
.LBB1_7:
0x5f: {  	p1 =	sne.s32 s22, $0x1;
	v6 =	vld [tilespmem:s18+$0xFFFFFFC0];
	[tilespmem:v0+s20+$0x30 ss:$0x1] =	vst.idx.msk $0xffff, v2  }
0x60: {  	v7 =	vld [tilespmem:s18+$0xFFFFFFD0];
	[tilespmem:v0+s20+$0x40 ss:$0x1] =	vst.idx.msk $0xffff, v3  }
0x61: {  	s21 =	sadd.s32 $0x80, s21;
	v8 =	vld [tilespmem:s18+$0xFFFFFFE0];
	[tilespmem:v0+s20+$0x50 ss:$0x1] =	vst.idx.msk $0xffff, v5  }
.Ltmp6:
0x62: {  	v2 =	vld [tilespmem:s18+$0xFFFFFFF0];
	[tilespmem:v0+s20+$0x60 ss:$0x1] =	vst.idx.msk $0xffff, v4;
	s20 =	sand.u32 $0x3F80, s21;
	(pc) =	sbr.rel @p1 .LBB1_7-.Ltmp6, $4  }
0x63: {  	v3 =	vld [tilespmem:s18+$0x0];
	[tilespmem:v0+s20+$0x70 ss:$0x1] =	vst.idx.msk $0xffff, v1  }
0x64: {  	[tilespmem:v0+s20+$0x0 ss:$0x1] =	vst.idx.msk $0xffff, v6;
	v5 =	vld [tilespmem:s18+$0x10]  }
0x65: {  	[tilespmem:v0+s20+$0x10 ss:$0x1] =	vst.idx.msk $0xffff, v7;
	v4 =	vld [tilespmem:s18+$0x20];
	s18 =	sadd.s32 $0x80, s18  }
0x66: {  	s22 =	sadd.s32 $0xFFFFFFFF, s22;
	v1 =	vld [tilespmem:s18+$0x30];
	[tilespmem:v0+s20+$0x20 ss:$0x1] =	vst.idx.msk $0xffff, v8  }
.Ltmp7:
0x67: {  	_ = 	snop;
	(pc) =	sbr.rel .LBB1_8-.Ltmp7, $1  }
0x68: {  	_ =	sdelay $0x3  }
.LBB1_6:
.Ltmp8:
0x69: {  	(pc) =	sbr.rel .LBB1_8-.Ltmp8, $2  }
0x6a: {  	_ =	sdelay $0x2  }
0x6b: {  	s21 =	simm.s32 $0x0  }
.LBB1_11:
0x6c: {  	_ =	sfence.sel $0x180000  }
0x6d: {  	s2 =	simm.s32 $0x1;
	[bflag:$0x0] =	sbarrier.arrive $0xFFFF  }
0x6e: {  	s31 =	simm.s32 $0x2;
	[sflag:s2] =	ssyncpa.u1 $0x1  }
0x6f: {  	[sflag:s31] =	ssyncpa.u1 $0x1  }
0x70: {  	p0 =	sne.s32 s0, $0x0;
	_ =	strace $0x90000047  }
0x71: {  	s0 =	sadd.s32 @!p0 $0x100000, s1;
	[bflag:$0x2] =	sbarrier.arrive $0xFFFF  }
0x72: {  	[sflag:s0] =	ssyncadd.tile.s32 @!p0 $0x1;
	_ =	shalt  }
.Lfunc_end1:
_tile_overlayer_lowered:
.L_overlay_start_2:
0x73: {  	(tag) =	ssettag $0x2  }
0x74: {  	s0 =	rddreg [dreg:$0x0];
	s2 =	stileid.u32  }
0x75: {  	s1 =	rddreg [dreg:$0x1];
	p0 =	sne.s32 s2, $0x0  }
0x76: {  	s3 =	rddreg [dreg:$0x2];
	[bflag:$0x3] =	sbarrier.arrive $0xFFFF;
	s2 =	simm.s32 @!p0 $0x1C01  }
0x77: {  	[timem:s3], [sflag:s2] =	dma.local @!p0 [hbm:s0], s1  }
0x78: {  	s0 =	simm.s32 @!p0 $0x1  }
0x79: {  	_ =	swait.ge @!p0 [sflag:s0], s1  }
0x7a: {  	s1 =	ssub.s32 @!p0 $0x0, s1;
	[sflag:s0] =	ssyncset.done @!p0 $0x0  }
0x7b: {  	[sflag:s0] =	ssyncadd.s32 @!p0 s1  }
0x7c: {  	[bflag:$0x3] =	sbarrier.arrive $0xFFFF  }
0x7d: {  	_ =	shalt  }

</sc_bundles>
